<compile_context>
chip_gen: v7x
topology: tpu7x:2x2x1
jax: 0.10.2.dev20260603
libtpu: 0.0.44.dev20260713+nightly
codegen_flags: <defaults>
</compile_context>

<pallas_src>
import functools
import math

import jax
import jax.numpy as jnp
from jax import lax
from jax.experimental import pallas as pl
from jax.experimental.pallas import tpu as pltpu
from jax.experimental.pallas import tpu_sc as plsc

_S = 64.0
_COS_M = math.cos(0.5)
_SIN_M = math.sin(0.5)

_L = 16


def _nr_sqrt(x):
    y = 0.5 * x + 0.5
    for _ in range(16):
        y = 0.5 * (y + x / y)
    return y


def _sc_fixup_values(cosine_flat, label, num_classes):
    B = label.shape[0]
    info = plsc.get_sparse_core_info()
    nw = info.num_cores * info.num_subcores
    bpw = B // nw
    mesh = plsc.VectorSubcoreMesh(core_axis_name="c", subcore_axis_name="s")

    @functools.partial(
        pl.kernel,
        out_type=jax.ShapeDtypeStruct((B,), jnp.float32),
        mesh=mesh,
        scratch_types=[
            pltpu.VMEM((bpw,), jnp.int32),
            pltpu.VMEM((bpw,), jnp.int32),
            pltpu.VMEM((bpw,), jnp.float32),
            pltpu.VMEM((bpw,), jnp.float32),
            pltpu.SemaphoreType.DMA,
        ],
    )
    def body(cosf_hbm, lab_hbm, out_hbm, idx_v, lab_v, cv_v, vals_v, sem):
        wid = lax.axis_index("s") * info.num_cores + lax.axis_index("c")
        base = wid * bpw
        pltpu.sync_copy(lab_hbm.at[pl.ds(base, bpw)], lab_v)
        for k in range(bpw // _L):
            lab16 = lab_v[pl.ds(k * _L, _L)]
            rows16 = lax.iota(jnp.int32, _L) + (base + k * _L)
            idx_v[pl.ds(k * _L, _L)] = rows16 * num_classes + lab16
        pltpu.async_copy(cosf_hbm.at[idx_v], cv_v, sem).wait()
        for k in range(bpw // _L):
            c = cv_v[pl.ds(k * _L, _L)]
            sin_t = _nr_sqrt(jnp.maximum(1.0 - c * c, 0.0))
            vals_v[pl.ds(k * _L, _L)] = _S * (c * _COS_M - sin_t * _SIN_M)
        pltpu.sync_copy(vals_v, out_hbm.at[pl.ds(base, bpw)])

    return body(cosine_flat, label)


def _tc_body(lab_ref, fix_ref, cos_ref, out_ref):
    c = cos_ref[...]
    bb, bc = c.shape
    cols = lax.broadcasted_iota(jnp.int32, (bb, bc), 1)
    out_ref[...] = jnp.where(cols == lab_ref[...], fix_ref[...], _S * c)


def kernel(cosine, label):
    B, C = cosine.shape
    fix = _sc_fixup_values(cosine.reshape(B * C), label, C)
    bb = 8
    return pl.pallas_call(
        _tc_body,
        grid=(B // bb,),
        in_specs=[
            pl.BlockSpec((bb, 1), lambda i: (i, 0)),
            pl.BlockSpec((bb, 1), lambda i: (i, 0)),
            pl.BlockSpec((bb, C), lambda i: (i, 0)),
        ],
        out_specs=pl.BlockSpec((bb, C), lambda i: (i, 0)),
        out_shape=jax.ShapeDtypeStruct((B, C), cosine.dtype),
    )(label.reshape(B, 1), fix.reshape(B, 1), cosine)

# --- scband reference (transcript-rebuilt; emitter-appended) ---
"""Pipeline reference for scband-arc-face-30803505447102 (READ-ONLY COPY).

The authoritative reference and input builder live on the scoring server;
editing this copy changes nothing except your own understanding.
"""

import jax, jax.numpy as jnp
import numpy as np

S = 64.0
M = 0.5


def setup_inputs(seed: int = 0) -> dict:
    key = jax.random.key(seed)
    k1, k2 = jax.random.split(key)
    # cosine similarities in [0, 1) per fill=rand; valid domain for arccos
    cosine = jax.random.uniform(k1, (1024, 100000), dtype=jnp.float32)
    label = jax.random.randint(k2, (1024,), 0, 100000, dtype=jnp.int32)
    return {"cosine": cosine, "label": label}


def reference(cosine, label):
    B = label.shape[0]
    C = cosine.shape[1]
    # index = torch.where(label != -1)[0]; all labels valid here so size=B is exact
    index = jnp.nonzero(label != -1, size=B, fill_value=0)[0]
    # m_hot.scatter_(1, label[index, None], m)
    m_hot = jnp.zeros((B, C), dtype=cosine.dtype)
    m_hot = m_hot.at[jnp.arange(B), label[index]].set(M)
    # cosine.acos_(); cosine[index] += m_hot; cosine.cos_().mul_(s)
    theta = jnp.arccos(cosine)
    theta = theta.at[index].add(m_hot)
    out = jnp.cos(theta) * S
    return out

if __name__ == "__main__":
    import jax
    _d = setup_inputs()
    print(jax.jit(kernel)(*tuple(_d.values())))

</pallas_src>

<mosaic_0001>
#map = affine_map<(d0, d1) -> (0)>
module attributes {stable_mosaic.version = 14 : i64} {
  func.func @body(%arg0: i32, %arg1: i32, %arg2: memref<102400000xf32, #tpu.memory_space<hbm>>, %arg3: memref<1024xi32, #tpu.memory_space<hbm>>, %arg4: memref<1024xf32, #tpu.memory_space<hbm>>, %arg5: memref<32xi32, #tpu.memory_space<vmem>>, %arg6: memref<32xi32, #tpu.memory_space<vmem>>, %arg7: memref<32xf32, #tpu.memory_space<vmem>>, %arg8: memref<32xf32, #tpu.memory_space<vmem>>, %arg9: memref<!tpu.dma_semaphore, #tpu.memory_space<semaphore_mem>>) attributes {dimension_semantics = [#tpu.dimension_semantics<core_parallel>, #tpu.dimension_semantics<subcore_parallel>], iteration_bounds = array<i64: 2, 16>, scalar_prefetch = 0 : i64, scratch_operands = 5 : i64, tpu.core_type = #tpu.core_type<sc_vector_subcore>, window_params = [{transform_indices = #map}, {transform_indices = #map}, {transform_indices = #map}]} {
    %mul3A = arith.constant 2 : i32
    %mul3A_0 = arith.muli %arg1, %mul3A : i32
    %add3A = arith.addi %mul3A_0, %arg0 : i32
    %mul3A_1 = arith.constant 32 : i32
    %mul3A_2 = arith.muli %add3A, %mul3A_1 : i32
    "tpu.region"() ({
      %run_scoped3A = tpu.sem_alloc : memref<!tpu.dma_semaphore, #tpu.memory_space<semaphore_mem>>
      %dma_start3A_251 = tpu.memref_slice %arg3[%mul3A_2] : memref<1024xi32, #tpu.memory_space<hbm>> -> memref<32xi32, #tpu.memory_space<hbm>>
      %dma_start3A_252 = tpu.memref_slice %arg3[%mul3A_2] : memref<1024xi32, #tpu.memory_space<hbm>> -> memref<32xi32, #tpu.memory_space<hbm>>
      tpu.enqueue_dma source(%dma_start3A_252 : memref<32xi32, #tpu.memory_space<hbm>>) target(%arg6 : memref<32xi32, #tpu.memory_space<vmem>>) target_semaphore(%run_scoped3A : memref<!tpu.dma_semaphore, #tpu.memory_space<semaphore_mem>>)
      %dma_wait3A_253 = tpu.memref_slice %arg3[%mul3A_2] : memref<1024xi32, #tpu.memory_space<hbm>> -> memref<32xi32, #tpu.memory_space<hbm>>
      %dma_wait3A_254 = tpu.memref_slice %arg3[%mul3A_2] : memref<1024xi32, #tpu.memory_space<hbm>> -> memref<32xi32, #tpu.memory_space<hbm>>
      tpu.wait_dma2 semaphore(%run_scoped3A : memref<!tpu.dma_semaphore, #tpu.memory_space<semaphore_mem>>) src(%dma_wait3A_254 : memref<32xi32, #tpu.memory_space<hbm>>) dst(%arg6 : memref<32xi32, #tpu.memory_space<vmem>>)
      tpu.yield
    }) : () -> ()
    %get3A = arith.constant 0 : index
    %get3A_3 = tpu.vector_load %arg6[%get3A] {strides = array<i32>} : memref<32xi32, #tpu.memory_space<vmem>>, vector<16xi32>,
    %get3A_4 = vector.shape_cast %get3A_3 : vector<16xi32> to vector<16xi32>
    %iota3A = tpu.iota {dimensions = array<i32: 0>} : vector<16xi32>
    %add3A_5 = arith.constant 0 : i32
    %add3A_6 = arith.addi %mul3A_2, %add3A_5 : i32
    %add3A_7 = vector.broadcast %add3A_6 : i32 to vector<16xi32>
    %add3A_8 = arith.addi %iota3A, %add3A_7 : vector<16xi32>
    %mul3A_9 = arith.constant 100000 : i32
    %mul3A_10 = vector.broadcast %mul3A_9 : i32 to vector<16xi32>
    %mul3A_11 = arith.muli %add3A_8, %mul3A_10 : vector<16xi32>
    %add3A_12 = arith.addi %mul3A_11, %get3A_4 : vector<16xi32>
    %swap3A = arith.constant 0 : index
    %swap3A_13 = tpu.vector_load %arg5[%swap3A] {strides = array<i32>} : memref<32xi32, #tpu.memory_space<vmem>>, vector<16xi32>,
    %swap3A_14 = vector.shape_cast %swap3A_13 : vector<16xi32> to vector<16xi32>
    %swap3A_15 = vector.shape_cast %add3A_12 : vector<16xi32> to vector<16xi32>
    tpu.vector_store %arg5[%swap3A], %swap3A_15 {strides = array<i32>} : memref<32xi32, #tpu.memory_space<vmem>>, vector<16xi32>,
    %get3A_16 = arith.constant 16 : index
    %get3A_17 = tpu.vector_load %arg6[%get3A_16] {strides = array<i32>} : memref<32xi32, #tpu.memory_space<vmem>>, vector<16xi32>,
    %get3A_18 = vector.shape_cast %get3A_17 : vector<16xi32> to vector<16xi32>
    %iota3A_19 = tpu.iota {dimensions = array<i32: 0>} : vector<16xi32>
    %add3A_20 = arith.constant 16 : i32
    %add3A_21 = arith.addi %mul3A_2, %add3A_20 : i32
    %add3A_22 = vector.broadcast %add3A_21 : i32 to vector<16xi32>
    %add3A_23 = arith.addi %iota3A_19, %add3A_22 : vector<16xi32>
    %mul3A_24 = arith.constant 100000 : i32
    %mul3A_25 = vector.broadcast %mul3A_24 : i32 to vector<16xi32>
    %mul3A_26 = arith.muli %add3A_23, %mul3A_25 : vector<16xi32>
    %add3A_27 = arith.addi %mul3A_26, %get3A_18 : vector<16xi32>
    %swap3A_28 = arith.constant 16 : index
    %swap3A_29 = tpu.vector_load %arg5[%swap3A_28] {strides = array<i32>} : memref<32xi32, #tpu.memory_space<vmem>>, vector<16xi32>,
    %swap3A_30 = vector.shape_cast %swap3A_29 : vector<16xi32> to vector<16xi32>
    %swap3A_31 = vector.shape_cast %add3A_27 : vector<16xi32> to vector<16xi32>
    tpu.vector_store %arg5[%swap3A_28], %swap3A_31 {strides = array<i32>} : memref<32xi32, #tpu.memory_space<vmem>>, vector<16xi32>,
    %dma_start3A = arith.constant 0 : i32
    %dma_start3A_32 = tpu.memref_slice %arg2[%dma_start3A] : memref<102400000xf32, #tpu.memory_space<hbm>> -> memref<102400000xf32, #tpu.memory_space<hbm>>
    tpu.enqueue_indirect_dma source(%dma_start3A_32 : memref<102400000xf32, #tpu.memory_space<hbm>>) target(%arg7 : memref<32xf32, #tpu.memory_space<vmem>>) offsets(%arg5 : memref<32xi32, #tpu.memory_space<vmem>>) semaphore(%arg9 : memref<!tpu.dma_semaphore, #tpu.memory_space<semaphore_mem>>)
    %dma_wait3A = arith.constant 0 : i32
    %dma_wait3A_33 = tpu.memref_slice %arg2[%dma_wait3A] : memref<102400000xf32, #tpu.memory_space<hbm>> -> memref<102400000xf32, #tpu.memory_space<hbm>>
    tpu.wait_indirect_dma semaphore(%arg9 : memref<!tpu.dma_semaphore, #tpu.memory_space<semaphore_mem>>) src(%dma_wait3A_33 : memref<102400000xf32, #tpu.memory_space<hbm>>) dst(%arg7 : memref<32xf32, #tpu.memory_space<vmem>>)
    %get3A_34 = arith.constant 0 : index
    %get3A_35 = tpu.vector_load %arg7[%get3A_34] {strides = array<i32>} : memref<32xf32, #tpu.memory_space<vmem>>, vector<16xf32>,
    %get3A_36 = vector.shape_cast %get3A_35 : vector<16xf32> to vector<16xf32>
    %mul3A_37 = arith.mulf %get3A_36, %get3A_36 : vector<16xf32>
    %sub3A = arith.constant 1.000000e+00 : f32
    %sub3A_38 = vector.broadcast %sub3A : f32 to vector<16xf32>
    %sub3A_39 = arith.subf %sub3A_38, %mul3A_37 : vector<16xf32>
    %max3A = arith.constant 0.000000e+00 : f32
    %max3A_40 = vector.broadcast %max3A : f32 to vector<16xf32>
    %max3A_41 = arith.maximumf %sub3A_39, %max3A_40 : vector<16xf32>
    %mul3A_42 = arith.constant 5.000000e-01 : f32
    %mul3A_43 = vector.broadcast %mul3A_42 : f32 to vector<16xf32>
    %mul3A_44 = arith.mulf %mul3A_43, %max3A_41 : vector<16xf32>
    %add3A_45 = arith.constant 5.000000e-01 : f32
    %add3A_46 = vector.broadcast %add3A_45 : f32 to vector<16xf32>
    %add3A_47 = arith.addf %mul3A_44, %add3A_46 : vector<16xf32>
    %div3A = arith.divf %max3A_41, %add3A_47 : vector<16xf32>
    %add3A_48 = arith.addf %add3A_47, %div3A : vector<16xf32>
    %mul3A_49 = arith.constant 5.000000e-01 : f32
    %mul3A_50 = vector.broadcast %mul3A_49 : f32 to vector<16xf32>
    %mul3A_51 = arith.mulf %mul3A_50, %add3A_48 : vector<16xf32>
    %div3A_52 = arith.divf %max3A_41, %mul3A_51 : vector<16xf32>
    %add3A_53 = arith.addf %mul3A_51, %div3A_52 : vector<16xf32>
    %mul3A_54 = arith.constant 5.000000e-01 : f32
    %mul3A_55 = vector.broadcast %mul3A_54 : f32 to vector<16xf32>
    %mul3A_56 = arith.mulf %mul3A_55, %add3A_53 : vector<16xf32>
    %div3A_57 = arith.divf %max3A_41, %mul3A_56 : vector<16xf32>
    %add3A_58 = arith.addf %mul3A_56, %div3A_57 : vector<16xf32>
    %mul3A_59 = arith.constant 5.000000e-01 : f32
    %mul3A_60 = vector.broadcast %mul3A_59 : f32 to vector<16xf32>
    %mul3A_61 = arith.mulf %mul3A_60, %add3A_58 : vector<16xf32>
    %div3A_62 = arith.divf %max3A_41, %mul3A_61 : vector<16xf32>
    %add3A_63 = arith.addf %mul3A_61, %div3A_62 : vector<16xf32>
    %mul3A_64 = arith.constant 5.000000e-01 : f32
    %mul3A_65 = vector.broadcast %mul3A_64 : f32 to vector<16xf32>
    %mul3A_66 = arith.mulf %mul3A_65, %add3A_63 : vector<16xf32>
    %div3A_67 = arith.divf %max3A_41, %mul3A_66 : vector<16xf32>
    %add3A_68 = arith.addf %mul3A_66, %div3A_67 : vector<16xf32>
    %mul3A_69 = arith.constant 5.000000e-01 : f32
    %mul3A_70 = vector.broadcast %mul3A_69 : f32 to vector<16xf32>
    %mul3A_71 = arith.mulf %mul3A_70, %add3A_68 : vector<16xf32>
    %div3A_72 = arith.divf %max3A_41, %mul3A_71 : vector<16xf32>
    %add3A_73 = arith.addf %mul3A_71, %div3A_72 : vector<16xf32>
    %mul3A_74 = arith.constant 5.000000e-01 : f32
    %mul3A_75 = vector.broadcast %mul3A_74 : f32 to vector<16xf32>
    %mul3A_76 = arith.mulf %mul3A_75, %add3A_73 : vector<16xf32>
    %div3A_77 = arith.divf %max3A_41, %mul3A_76 : vector<16xf32>
    %add3A_78 = arith.addf %mul3A_76, %div3A_77 : vector<16xf32>
    %mul3A_79 = arith.constant 5.000000e-01 : f32
    %mul3A_80 = vector.broadcast %mul3A_79 : f32 to vector<16xf32>
    %mul3A_81 = arith.mulf %mul3A_80, %add3A_78 : vector<16xf32>
    %div3A_82 = arith.divf %max3A_41, %mul3A_81 : vector<16xf32>
    %add3A_83 = arith.addf %mul3A_81, %div3A_82 : vector<16xf32>
    %mul3A_84 = arith.constant 5.000000e-01 : f32
    %mul3A_85 = vector.broadcast %mul3A_84 : f32 to vector<16xf32>
    %mul3A_86 = arith.mulf %mul3A_85, %add3A_83 : vector<16xf32>
    %div3A_87 = arith.divf %max3A_41, %mul3A_86 : vector<16xf32>
    %add3A_88 = arith.addf %mul3A_86, %div3A_87 : vector<16xf32>
    %mul3A_89 = arith.constant 5.000000e-01 : f32
    %mul3A_90 = vector.broadcast %mul3A_89 : f32 to vector<16xf32>
    %mul3A_91 = arith.mulf %mul3A_90, %add3A_88 : vector<16xf32>
    %div3A_92 = arith.divf %max3A_41, %mul3A_91 : vector<16xf32>
    %add3A_93 = arith.addf %mul3A_91, %div3A_92 : vector<16xf32>
    %mul3A_94 = arith.constant 5.000000e-01 : f32
    %mul3A_95 = vector.broadcast %mul3A_94 : f32 to vector<16xf32>
    %mul3A_96 = arith.mulf %mul3A_95, %add3A_93 : vector<16xf32>
    %div3A_97 = arith.divf %max3A_41, %mul3A_96 : vector<16xf32>
    %add3A_98 = arith.addf %mul3A_96, %div3A_97 : vector<16xf32>
    %mul3A_99 = arith.constant 5.000000e-01 : f32
    %mul3A_100 = vector.broadcast %mul3A_99 : f32 to vector<16xf32>
    %mul3A_101 = arith.mulf %mul3A_100, %add3A_98 : vector<16xf32>
    %div3A_102 = arith.divf %max3A_41, %mul3A_101 : vector<16xf32>
    %add3A_103 = arith.addf %mul3A_101, %div3A_102 : vector<16xf32>
    %mul3A_104 = arith.constant 5.000000e-01 : f32
    %mul3A_105 = vector.broadcast %mul3A_104 : f32 to vector<16xf32>
    %mul3A_106 = arith.mulf %mul3A_105, %add3A_103 : vector<16xf32>
    %div3A_107 = arith.divf %max3A_41, %mul3A_106 : vector<16xf32>
    %add3A_108 = arith.addf %mul3A_106, %div3A_107 : vector<16xf32>
    %mul3A_109 = arith.constant 5.000000e-01 : f32
    %mul3A_110 = vector.broadcast %mul3A_109 : f32 to vector<16xf32>
    %mul3A_111 = arith.mulf %mul3A_110, %add3A_108 : vector<16xf32>
    %div3A_112 = arith.divf %max3A_41, %mul3A_111 : vector<16xf32>
    %add3A_113 = arith.addf %mul3A_111, %div3A_112 : vector<16xf32>
    %mul3A_114 = arith.constant 5.000000e-01 : f32
    %mul3A_115 = vector.broadcast %mul3A_114 : f32 to vector<16xf32>
    %mul3A_116 = arith.mulf %mul3A_115, %add3A_113 : vector<16xf32>
    %div3A_117 = arith.divf %max3A_41, %mul3A_116 : vector<16xf32>
    %add3A_118 = arith.addf %mul3A_116, %div3A_117 : vector<16xf32>
    %mul3A_119 = arith.constant 5.000000e-01 : f32
    %mul3A_120 = vector.broadcast %mul3A_119 : f32 to vector<16xf32>
    %mul3A_121 = arith.mulf %mul3A_120, %add3A_118 : vector<16xf32>
    %div3A_122 = arith.divf %max3A_41, %mul3A_121 : vector<16xf32>
    %add3A_123 = arith.addf %mul3A_121, %div3A_122 : vector<16xf32>
    %mul3A_124 = arith.constant 5.000000e-01 : f32
    %mul3A_125 = vector.broadcast %mul3A_124 : f32 to vector<16xf32>
    %mul3A_126 = arith.mulf %mul3A_125, %add3A_123 : vector<16xf32>
    %mul3A_127 = arith.constant 0.87758255 : f32
    %mul3A_128 = vector.broadcast %mul3A_127 : f32 to vector<16xf32>
    %mul3A_129 = arith.mulf %get3A_36, %mul3A_128 : vector<16xf32>
    %mul3A_130 = arith.constant 0.47942555 : f32
    %mul3A_131 = vector.broadcast %mul3A_130 : f32 to vector<16xf32>
    %mul3A_132 = arith.mulf %mul3A_126, %mul3A_131 : vector<16xf32>
    %sub3A_133 = arith.subf %mul3A_129, %mul3A_132 : vector<16xf32>
    %mul3A_134 = arith.constant 6.400000e+01 : f32
    %mul3A_135 = vector.broadcast %mul3A_134 : f32 to vector<16xf32>
    %mul3A_136 = arith.mulf %mul3A_135, %sub3A_133 : vector<16xf32>
    %swap3A_137 = arith.constant 0 : index
    %swap3A_138 = tpu.vector_load %arg8[%swap3A_137] {strides = array<i32>} : memref<32xf32, #tpu.memory_space<vmem>>, vector<16xf32>,
    %swap3A_139 = vector.shape_cast %swap3A_138 : vector<16xf32> to vector<16xf32>
    %swap3A_140 = vector.shape_cast %mul3A_136 : vector<16xf32> to vector<16xf32>
    tpu.vector_store %arg8[%swap3A_137], %swap3A_140 {strides = array<i32>} : memref<32xf32, #tpu.memory_space<vmem>>, vector<16xf32>,
    %get3A_141 = arith.constant 16 : index
    %get3A_142 = tpu.vector_load %arg7[%get3A_141] {strides = array<i32>} : memref<32xf32, #tpu.memory_space<vmem>>, vector<16xf32>,
    %get3A_143 = vector.shape_cast %get3A_142 : vector<16xf32> to vector<16xf32>
    %mul3A_144 = arith.mulf %get3A_143, %get3A_143 : vector<16xf32>
    %sub3A_145 = arith.constant 1.000000e+00 : f32
    %sub3A_146 = vector.broadcast %sub3A_145 : f32 to vector<16xf32>
    %sub3A_147 = arith.subf %sub3A_146, %mul3A_144 : vector<16xf32>
    %max3A_148 = arith.constant 0.000000e+00 : f32
    %max3A_149 = vector.broadcast %max3A_148 : f32 to vector<16xf32>
    %max3A_150 = arith.maximumf %sub3A_147, %max3A_149 : vector<16xf32>
    %mul3A_151 = arith.constant 5.000000e-01 : f32
    %mul3A_152 = vector.broadcast %mul3A_151 : f32 to vector<16xf32>
    %mul3A_153 = arith.mulf %mul3A_152, %max3A_150 : vector<16xf32>
    %add3A_154 = arith.constant 5.000000e-01 : f32
    %add3A_155 = vector.broadcast %add3A_154 : f32 to vector<16xf32>
    %add3A_156 = arith.addf %mul3A_153, %add3A_155 : vector<16xf32>
    %div3A_157 = arith.divf %max3A_150, %add3A_156 : vector<16xf32>
    %add3A_158 = arith.addf %add3A_156, %div3A_157 : vector<16xf32>
    %mul3A_159 = arith.constant 5.000000e-01 : f32
    %mul3A_160 = vector.broadcast %mul3A_159 : f32 to vector<16xf32>
    %mul3A_161 = arith.mulf %mul3A_160, %add3A_158 : vector<16xf32>
    %div3A_162 = arith.divf %max3A_150, %mul3A_161 : vector<16xf32>
    %add3A_163 = arith.addf %mul3A_161, %div3A_162 : vector<16xf32>
    %mul3A_164 = arith.constant 5.000000e-01 : f32
    %mul3A_165 = vector.broadcast %mul3A_164 : f32 to vector<16xf32>
    %mul3A_166 = arith.mulf %mul3A_165, %add3A_163 : vector<16xf32>
    %div3A_167 = arith.divf %max3A_150, %mul3A_166 : vector<16xf32>
    %add3A_168 = arith.addf %mul3A_166, %div3A_167 : vector<16xf32>
    %mul3A_169 = arith.constant 5.000000e-01 : f32
    %mul3A_170 = vector.broadcast %mul3A_169 : f32 to vector<16xf32>
    %mul3A_171 = arith.mulf %mul3A_170, %add3A_168 : vector<16xf32>
    %div3A_172 = arith.divf %max3A_150, %mul3A_171 : vector<16xf32>
    %add3A_173 = arith.addf %mul3A_171, %div3A_172 : vector<16xf32>
    %mul3A_174 = arith.constant 5.000000e-01 : f32
    %mul3A_175 = vector.broadcast %mul3A_174 : f32 to vector<16xf32>
    %mul3A_176 = arith.mulf %mul3A_175, %add3A_173 : vector<16xf32>
    %div3A_177 = arith.divf %max3A_150, %mul3A_176 : vector<16xf32>
    %add3A_178 = arith.addf %mul3A_176, %div3A_177 : vector<16xf32>
    %mul3A_179 = arith.constant 5.000000e-01 : f32
    %mul3A_180 = vector.broadcast %mul3A_179 : f32 to vector<16xf32>
    %mul3A_181 = arith.mulf %mul3A_180, %add3A_178 : vector<16xf32>
    %div3A_182 = arith.divf %max3A_150, %mul3A_181 : vector<16xf32>
    %add3A_183 = arith.addf %mul3A_181, %div3A_182 : vector<16xf32>
    %mul3A_184 = arith.constant 5.000000e-01 : f32
    %mul3A_185 = vector.broadcast %mul3A_184 : f32 to vector<16xf32>
    %mul3A_186 = arith.mulf %mul3A_185, %add3A_183 : vector<16xf32>
    %div3A_187 = arith.divf %max3A_150, %mul3A_186 : vector<16xf32>
    %add3A_188 = arith.addf %mul3A_186, %div3A_187 : vector<16xf32>
    %mul3A_189 = arith.constant 5.000000e-01 : f32
    %mul3A_190 = vector.broadcast %mul3A_189 : f32 to vector<16xf32>
    %mul3A_191 = arith.mulf %mul3A_190, %add3A_188 : vector<16xf32>
    %div3A_192 = arith.divf %max3A_150, %mul3A_191 : vector<16xf32>
    %add3A_193 = arith.addf %mul3A_191, %div3A_192 : vector<16xf32>
    %mul3A_194 = arith.constant 5.000000e-01 : f32
    %mul3A_195 = vector.broadcast %mul3A_194 : f32 to vector<16xf32>
    %mul3A_196 = arith.mulf %mul3A_195, %add3A_193 : vector<16xf32>
    %div3A_197 = arith.divf %max3A_150, %mul3A_196 : vector<16xf32>
    %add3A_198 = arith.addf %mul3A_196, %div3A_197 : vector<16xf32>
    %mul3A_199 = arith.constant 5.000000e-01 : f32
    %mul3A_200 = vector.broadcast %mul3A_199 : f32 to vector<16xf32>
    %mul3A_201 = arith.mulf %mul3A_200, %add3A_198 : vector<16xf32>
    %div3A_202 = arith.divf %max3A_150, %mul3A_201 : vector<16xf32>
    %add3A_203 = arith.addf %mul3A_201, %div3A_202 : vector<16xf32>
    %mul3A_204 = arith.constant 5.000000e-01 : f32
    %mul3A_205 = vector.broadcast %mul3A_204 : f32 to vector<16xf32>
    %mul3A_206 = arith.mulf %mul3A_205, %add3A_203 : vector<16xf32>
    %div3A_207 = arith.divf %max3A_150, %mul3A_206 : vector<16xf32>
    %add3A_208 = arith.addf %mul3A_206, %div3A_207 : vector<16xf32>
    %mul3A_209 = arith.constant 5.000000e-01 : f32
    %mul3A_210 = vector.broadcast %mul3A_209 : f32 to vector<16xf32>
    %mul3A_211 = arith.mulf %mul3A_210, %add3A_208 : vector<16xf32>
    %div3A_212 = arith.divf %max3A_150, %mul3A_211 : vector<16xf32>
    %add3A_213 = arith.addf %mul3A_211, %div3A_212 : vector<16xf32>
    %mul3A_214 = arith.constant 5.000000e-01 : f32
    %mul3A_215 = vector.broadcast %mul3A_214 : f32 to vector<16xf32>
    %mul3A_216 = arith.mulf %mul3A_215, %add3A_213 : vector<16xf32>
    %div3A_217 = arith.divf %max3A_150, %mul3A_216 : vector<16xf32>
    %add3A_218 = arith.addf %mul3A_216, %div3A_217 : vector<16xf32>
    %mul3A_219 = arith.constant 5.000000e-01 : f32
    %mul3A_220 = vector.broadcast %mul3A_219 : f32 to vector<16xf32>
    %mul3A_221 = arith.mulf %mul3A_220, %add3A_218 : vector<16xf32>
    %div3A_222 = arith.divf %max3A_150, %mul3A_221 : vector<16xf32>
    %add3A_223 = arith.addf %mul3A_221, %div3A_222 : vector<16xf32>
    %mul3A_224 = arith.constant 5.000000e-01 : f32
    %mul3A_225 = vector.broadcast %mul3A_224 : f32 to vector<16xf32>
    %mul3A_226 = arith.mulf %mul3A_225, %add3A_223 : vector<16xf32>
    %div3A_227 = arith.divf %max3A_150, %mul3A_226 : vector<16xf32>
    %add3A_228 = arith.addf %mul3A_226, %div3A_227 : vector<16xf32>
    %mul3A_229 = arith.constant 5.000000e-01 : f32
    %mul3A_230 = vector.broadcast %mul3A_229 : f32 to vector<16xf32>
    %mul3A_231 = arith.mulf %mul3A_230, %add3A_228 : vector<16xf32>
    %div3A_232 = arith.divf %max3A_150, %mul3A_231 : vector<16xf32>
    %add3A_233 = arith.addf %mul3A_231, %div3A_232 : vector<16xf32>
    %mul3A_234 = arith.constant 5.000000e-01 : f32
    %mul3A_235 = vector.broadcast %mul3A_234 : f32 to vector<16xf32>
    %mul3A_236 = arith.mulf %mul3A_235, %add3A_233 : vector<16xf32>
    %mul3A_237 = arith.constant 0.87758255 : f32
    %mul3A_238 = vector.broadcast %mul3A_237 : f32 to vector<16xf32>
    %mul3A_239 = arith.mulf %get3A_143, %mul3A_238 : vector<16xf32>
    %mul3A_240 = arith.constant 0.47942555 : f32
    %mul3A_241 = vector.broadcast %mul3A_240 : f32 to vector<16xf32>
    %mul3A_242 = arith.mulf %mul3A_236, %mul3A_241 : vector<16xf32>
    %sub3A_243 = arith.subf %mul3A_239, %mul3A_242 : vector<16xf32>
    %mul3A_244 = arith.constant 6.400000e+01 : f32
    %mul3A_245 = vector.broadcast %mul3A_244 : f32 to vector<16xf32>
    %mul3A_246 = arith.mulf %mul3A_245, %sub3A_243 : vector<16xf32>
    %swap3A_247 = arith.constant 16 : index
    %swap3A_248 = tpu.vector_load %arg8[%swap3A_247] {strides = array<i32>} : memref<32xf32, #tpu.memory_space<vmem>>, vector<16xf32>,
    %swap3A_249 = vector.shape_cast %swap3A_248 : vector<16xf32> to vector<16xf32>
    %swap3A_250 = vector.shape_cast %mul3A_246 : vector<16xf32> to vector<16xf32>
    tpu.vector_store %arg8[%swap3A_247], %swap3A_250 {strides = array<i32>} : memref<32xf32, #tpu.memory_space<vmem>>, vector<16xf32>,
    "tpu.region"() ({
      %run_scoped3A = tpu.sem_alloc : memref<!tpu.dma_semaphore, #tpu.memory_space<semaphore_mem>>
      %dma_start3A_251 = tpu.memref_slice %arg4[%mul3A_2] : memref<1024xf32, #tpu.memory_space<hbm>> -> memref<32xf32, #tpu.memory_space<hbm>>
      %dma_start3A_252 = tpu.memref_slice %arg4[%mul3A_2] : memref<1024xf32, #tpu.memory_space<hbm>> -> memref<32xf32, #tpu.memory_space<hbm>>
      tpu.enqueue_dma source(%arg8 : memref<32xf32, #tpu.memory_space<vmem>>) target(%dma_start3A_252 : memref<32xf32, #tpu.memory_space<hbm>>) target_semaphore(%run_scoped3A : memref<!tpu.dma_semaphore, #tpu.memory_space<semaphore_mem>>)
      %dma_wait3A_253 = tpu.memref_slice %arg4[%mul3A_2] : memref<1024xf32, #tpu.memory_space<hbm>> -> memref<32xf32, #tpu.memory_space<hbm>>
      %dma_wait3A_254 = tpu.memref_slice %arg4[%mul3A_2] : memref<1024xf32, #tpu.memory_space<hbm>> -> memref<32xf32, #tpu.memory_space<hbm>>
      tpu.wait_dma2 semaphore(%run_scoped3A : memref<!tpu.dma_semaphore, #tpu.memory_space<semaphore_mem>>) src(%arg8 : memref<32xf32, #tpu.memory_space<vmem>>) dst(%dma_wait3A_254 : memref<32xf32, #tpu.memory_space<hbm>>)
      tpu.yield
    }) : () -> ()
    return
  }
}

module attributes {stable_mosaic.version = 14 : i64} {
  func.func @_tc_body(%arg0: i32, %arg1: memref<8x1xi32, #tpu.memory_space<vmem>>, %arg2: memref<8x1xf32, #tpu.memory_space<vmem>>, %arg3: memref<8x100000xf32, #tpu.memory_space<vmem>>, %arg4: memref<8x100000xf32, #tpu.memory_space<vmem>>) attributes {dimension_semantics = [#tpu.dimension_semantics<arbitrary>], iteration_bounds = array<i64: 128>, scalar_prefetch = 0 : i64, scratch_operands = 0 : i64, tpu.core_type = #tpu.core_type<tc>, window_params = [{transform_indices = @transform_0, window_bounds = array<i64: 8, 1>}, {transform_indices = @transform_1, window_bounds = array<i64: 8, 1>}, {transform_indices = @transform_2, window_bounds = array<i64: 8, 100000>}, {transform_indices = @transform_3, window_bounds = array<i64: 8, 100000>}]} {
    %get3A = arith.constant 0 : index
    %get3A_0 = arith.constant 0 : index
    %get3A_1 = vector.load %arg3[%get3A, %get3A_0] : memref<8x100000xf32, #tpu.memory_space<vmem>>, vector<8x100000xf32>
    %iota3A = tpu.iota {dimensions = array<i32: 1>} : vector<8x100000xi32>
    %get3A_2 = arith.constant 0 : index
    %get3A_3 = arith.constant 0 : index
    %get3A_4 = vector.load %arg1[%get3A_2, %get3A_3] : memref<8x1xi32, #tpu.memory_space<vmem>>, vector<8x1xi32>
    %eq3A = vector.broadcast %get3A_4 : vector<8x1xi32> to vector<8x100000xi32>
    %eq3A_5 = arith.cmpi eq, %iota3A, %eq3A : vector<8x100000xi32>
    %get3A_6 = arith.constant 0 : index
    %get3A_7 = arith.constant 0 : index
    %get3A_8 = vector.load %arg2[%get3A_6, %get3A_7] : memref<8x1xf32, #tpu.memory_space<vmem>>, vector<8x1xf32>
    %mul3A = arith.constant 6.400000e+01 : f32
    %mul3A_9 = vector.broadcast %mul3A : f32 to vector<8x100000xf32>
    %mul3A_10 = arith.mulf %mul3A_9, %get3A_1 : vector<8x100000xf32>
    %broadcast_in_dim3A = vector.shape_cast %get3A_8 : vector<8x1xf32> to vector<8x1xf32>
    %broadcast_in_dim3A_11 = vector.broadcast %broadcast_in_dim3A : vector<8x1xf32> to vector<8x100000xf32>
    %select_n3A = arith.select %eq3A_5, %broadcast_in_dim3A_11, %mul3A_10 : vector<8x100000xi1>, vector<8x100000xf32>
    %swap3A = arith.constant 0 : index
    %swap3A_12 = arith.constant 0 : index
    %swap3A_13 = vector.load %arg4[%swap3A, %swap3A_12] : memref<8x100000xf32, #tpu.memory_space<vmem>>, vector<8x100000xf32>
    tpu.vector_store %arg4[%swap3A, %swap3A_12], %select_n3A {strides = array<i32>} : memref<8x100000xf32, #tpu.memory_space<vmem>>, vector<8x100000xf32>,
    return
  }
  func.func @transform_0(%arg0: i32) -> (i32, i32) {
    %c0_i32 = arith.constant 0 : i32
    %c0_i32_0 = arith.constant 0 : i32
    return %arg0, %c0_i32 : i32, i32
  }
  func.func @transform_1(%arg0: i32) -> (i32, i32) {
    %c0_i32 = arith.constant 0 : i32
    %c0_i32_0 = arith.constant 0 : i32
    return %arg0, %c0_i32 : i32, i32
  }
  func.func @transform_2(%arg0: i32) -> (i32, i32) {
    %c0_i32 = arith.constant 0 : i32
    %c0_i32_0 = arith.constant 0 : i32
    return %arg0, %c0_i32 : i32, i32
  }
  func.func @transform_3(%arg0: i32) -> (i32, i32) {
    %c0_i32 = arith.constant 0 : i32
    %c0_i32_0 = arith.constant 0 : i32
    return %arg0, %c0_i32 : i32, i32
  }
}

</mosaic_0001>

<sc_bundles>
// kernel: kernel.4.cloned.1.call-start
scs
__scs_entry_jumppad:
0x0: {  	(pc) =	sbr.rel $0x88, $3  }
0x1: {  	(tag) =	ssettag $0x0;
	lr =	simm.s32 $0x1  }
0x2: {  	[smem:$0x3F9F] =	sst lr;
	_ =	strace $0xD0000000  }
0x3: {  	_ = 	snop  }
0x4: {  	_ = 	snop  }
0x5: {  	_ = 	snop  }
0x6: {  	_ = 	snop  }
0x7: {  	_ = 	snop  }
__scs_overlays_trampoline_lowered:
0x8: {  	[smem:$0x3FAE] =	sst s0  }
0x9: {  	[smem:$0x3FAF] =	sst s1  }
0xa: {  	[smem:$0x3FB0] =	sst s2  }
0xb: {  	[smem:$0x3FB1] =	sst s3  }
0xc: {  	[smem:$0x3FB2] =	sst s4  }
0xd: {  	[smem:$0x3FB3] =	sst s5  }
0xe: {  	[smem:$0x3FB4] =	sst s6  }
0xf: {  	[smem:$0x3FB5] =	sst s7  }
0x10: {  	[smem:$0x3FB6] =	sst s8  }
0x11: {  	[smem:$0x3FB7] =	sst s9;
	s0 =	simm.s32 @!p0 $0x0  }
0x12: {  	s1 =	sld [smem:$0x3F9D];
	s0 =	simm.s32 @p0 $0x1  }
0x13: {  	[smem:$0x3FB8] =	sst s0;
	s0 =	simm.s32 @!p1 $0x0  }
0x14: {  	s2 =	sld [smem:$0x3F9C];
	s0 =	simm.s32 @p1 $0x1  }
0x15: {  	[smem:$0x3FB9] =	sst s0;
	s0 =	simm.s32 @!p2 $0x0  }
0x16: {  	s3 =	sld [smem:$0x3FDB];
	s0 =	simm.s32 @p2 $0x1  }
0x17: {  	s4 =	simm.s32 $0x1BF5;
	[smem:$0x3FBB] =	sst s0  }
0x18: {  	s0 =	sld [smem:$0x3F9E];
	_ =	swait.ge [sflag:s4], $0x0  }
0x19: {  	s7 =	sld [smem:$0x3F9F]  }
0x1a: {  	s8 =	sadd.s32 $0xFFFFE003, lr  }
0x1b: {  	s9 =	sadd.s32 $0xFFFFFEF7, lr;
	s5 =	simm.s32 $0xFFFFFFFF;
	p2 =	slt.u32 s8, $0xFFFFF086  }
0x1c: {  	p1 =	slt.u32 s9, $0xF7A;
	s5 =	simm.s32 @!p2 $0x0  }
0x1d: {  	s5 =	simm.s32 @p1 $0x1;
	p0 =	seq.s32 s7, s2  }
0x1e: {  	s7 =	smul.u32 @!p0 $0xF7A, s2;
	p2 =	seq.s32 @!p0 s5, $0x0  }
0x1f: {  	s9 =	smul.u32 $0xF7A, s1;
	s8 =	simm.s32 @!p0 $0x1BF5;
	p2 =	por !p2, p0  }
0x20: {  	[sflag:s8] =	ssyncset.s32 @!p0 $0xFFFFF086;
	s6 =	sadd.s32 @!p0 s3, s7;
	s7 =	simm.s32 @!p0 $0x108  }
0x21: {  	s3 =	sadd.s32 s3, s9;
	s6 =	sadd.s32 @!p0 $0x88, s6;
	s7 =	simm.s32 @p2 $0x1082  }
0x22: {  	[simem:s7], [sflag:s8] =	dma.local @!p0 [hbm:s6], $0xF7A  }
0x23: {  	s9 =	sor.u32 $0xD0000000, s2;
	s6 =	simm.s32 $0x108;
	_ =	swait.ge @!p0 [sflag:s8], $0x0  }
0x24: {  	s3 =	sadd.s32 $0x88, s3;
	s6 =	simm.s32 @!p1 $0x1082;
	[sflag:s4] =	ssyncset.s32 $0xFFFFF086  }
0x25: {  	[simem:s6], [sflag:s4] =	dma.local [hbm:s3], $0xF7A  }
0x26: {  	[smem:$0x3F9F] =	sst s1;
	(tag) =	ssettag s2;
	_ =	strace s9  }
0x27: {  	s1 =	sld [smem:$0x3FAF]  }
0x28: {  	s2 =	sld [smem:$0x3FB0]  }
0x29: {  	s4 =	sld [smem:$0x3FB2]  }
0x2a: {  	p0 =	seq.s32 s5, $0x0;
	s5 =	sld [smem:$0x3FB3]  }
0x2b: {  	s6 =	sld [smem:$0x3FB4]  }
0x2c: {  	s7 =	sld [smem:$0x3FB5]  }
0x2d: {  	s3 =	simm.s32 $0x108;
	s8 =	sld [smem:$0x3FB6]  }
0x2e: {  	s3 =	simm.s32 @!p0 $0x1082;
	s9 =	sld [smem:$0x3FB7]  }
0x2f: {  	lr =	sadd.s32 s0, s3;
	s0 =	sld [smem:$0x3FAE]  }
0x30: {  	s3 =	sld [smem:$0x3FB1]  }
0x31: {  	[smem:$0x3FBA] =	sst s10  }
0x32: {  	s10 =	sld [smem:$0x3FB8];
	_ =	sdelay $0x3  }
0x33: {  	p0 =	seq.s32 s10, $0x1;
	s10 =	sld [smem:$0x3FBA];
	_ =	sdelay $0x3  }
0x34: {  	[smem:$0x3FBA] =	sst s10  }
0x35: {  	s10 =	sld [smem:$0x3FB9];
	_ =	sdelay $0x3  }
0x36: {  	p1 =	seq.s32 s10, $0x1;
	s10 =	sld [smem:$0x3FBA];
	_ =	sdelay $0x3  }
0x37: {  	[smem:$0x3FBA] =	sst s10  }
0x38: {  	s10 =	sld [smem:$0x3FBB]  }
0x39: {  	_ = 	snop;
	(pc) =	sbr.ind lr, $3  }
0x3a: {  	_ = 	snop  }
0x3b: {  	_ = 	snop  }
0x3c: {  	p2 =	seq.s32 s10, $0x1;
	s10 =	sld [smem:$0x3FBA]  }
0x3d: {  	_ =	shalt  }
0x3e: {  	_ =	shalt  }
0x3f: {  	_ =	shalt  }
0x40: {  	_ =	shalt  }
0x41: {  	_ =	shalt  }
0x42: {  	_ =	shalt  }
0x43: {  	_ =	shalt  }
0x44: {  	_ =	shalt  }
0x45: {  	_ =	shalt  }
0x46: {  	_ =	shalt  }
0x47: {  	_ =	shalt  }
0x48: {  	_ =	shalt  }
0x49: {  	_ =	shalt  }
0x4a: {  	_ =	shalt  }
0x4b: {  	_ =	shalt  }
0x4c: {  	_ =	shalt  }
0x4d: {  	_ =	shalt  }
0x4e: {  	_ =	shalt  }
0x4f: {  	_ =	shalt  }
0x50: {  	_ =	shalt  }
0x51: {  	_ =	shalt  }
0x52: {  	_ =	shalt  }
0x53: {  	_ =	shalt  }
0x54: {  	_ =	shalt  }
0x55: {  	_ =	shalt  }
0x56: {  	_ =	shalt  }
0x57: {  	_ =	shalt  }
0x58: {  	_ =	shalt  }
0x59: {  	_ =	shalt  }
0x5a: {  	_ =	shalt  }
0x5b: {  	_ =	shalt  }
0x5c: {  	_ =	shalt  }
0x5d: {  	_ =	shalt  }
0x5e: {  	_ =	shalt  }
0x5f: {  	_ =	shalt  }
0x60: {  	_ =	shalt  }
0x61: {  	_ =	shalt  }
0x62: {  	_ =	shalt  }
0x63: {  	_ =	shalt  }
0x64: {  	_ =	shalt  }
0x65: {  	_ =	shalt  }
0x66: {  	_ =	shalt  }
0x67: {  	_ =	shalt  }
0x68: {  	_ =	shalt  }
0x69: {  	_ =	shalt  }
0x6a: {  	_ =	shalt  }
0x6b: {  	_ =	shalt  }
0x6c: {  	_ =	shalt  }
0x6d: {  	_ =	shalt  }
0x6e: {  	_ =	shalt  }
0x6f: {  	_ =	shalt  }
0x70: {  	_ =	shalt  }
0x71: {  	_ =	shalt  }
0x72: {  	_ =	shalt  }
0x73: {  	_ =	shalt  }
0x74: {  	_ =	shalt  }
0x75: {  	_ =	shalt  }
0x76: {  	_ =	shalt  }
0x77: {  	_ =	shalt  }
0x78: {  	_ =	shalt  }
0x79: {  	_ =	shalt  }
0x7a: {  	_ =	shalt  }
0x7b: {  	_ =	shalt  }
0x7c: {  	_ =	shalt  }
0x7d: {  	_ =	shalt  }
0x7e: {  	_ =	shalt  }
0x7f: {  	_ =	shalt  }
0x80: {  	_ =	shalt  }
0x81: {  	_ =	shalt  }
0x82: {  	_ =	shalt  }
0x83: {  	_ =	shalt  }
0x84: {  	_ =	shalt  }
0x85: {  	_ =	shalt  }
0x86: {  	_ =	shalt  }
0x87: {  	_ =	shalt  }
.Lfunc_end0:
.L_simem_size_0:
called_computation_lowered:
.L_overlay_start_0:
0x88: {  	s2 =	sld [smem:$0x3FD9]  }
0x89: {  	s3 =	sld [smem:$0x3FFE];
	_ =	sdelay $0x1  }
0x8a: {  	s1 =	srdreg.scid  }
0x8b: {  	s0 =	sand.u32 $0x1, s1  }
0x8c: {  	s17 =	sshll.u32 s0, $0xA;
	s2 =	sadd.s32 s3, s2  }
0x8d: {  	s2 =	sadd.s32 s2, s17  }
0x8e: {  	[smem:$0x3FC6] =	sst s2  }
0x8f: {  	_ = 	snop  }
0x90: {  	s2 =	sld [smem:$0x3FC8]  }
0x91: {  	s18 =	sld [smem:$0x3FD0];
	(tm) =	ssettm $0x1  }
0x92: {  	s4 =	sld [smem:$0x3FFB];
	_ =	sdelay $0x3  }
0x93: {  	_ =	strace s4  }
0x94: {  	s4 =	sld [smem:$0x3FFC];
	_ =	sdelay $0x3  }
0x95: {  	_ =	strace s4  }
0x96: {  	s4 =	sld [smem:$0x3FFD];
	_ =	sdelay $0x3  }
0x97: {  	_ =	strace s4  }
0x98: {  	_ =	strace $0x8FFFFFFF  }
0x99: {  	s19 =	sld [smem:$0x3FDB];
	_ =	sdelay $0x1  }
0x9a: {  	s5 =	simm.s32 $_scs_section_size  }
0x9b: {  	s6 =	simm.s32 $_size__tile_overlayer_lowered;
	s7 =	simm.s32 $_tile_overlayer_lowered  }
0x9c: {  	s22 =	simm.s32 $0x1BFF;
	s21 =	sshll.u32 s7, $0x1;
	s4 =	sadd.s32 s5, s19  }
0x9d: {  	s8 =	simm.s32 $0x0;
	s20 =	sshll.u32 s6, $0x1;
	s6 =	sadd.s32 s21, s4  }
0x9e: {  	[timem:s8], [sflag:s22] =	dma.local [hbm:s6], s20  }
0x9f: {  	_ =	swait.ge [sflag:s22], s20  }
0xa0: {  	s5 =	ssub.s32 $0x0, s20;
	[sflag:s22] =	ssyncset.done $0x0  }
0xa1: {  	[sflag:s22] =	ssyncadd.s32 s5;
	_ =	sdelay $0x1  }
0xa2: {  	s23 =	simm.s32 $0x1B8B  }
0xa3: {  	_ =	swait.ge [sflag:s23], $0x1  }
0xa4: {  	[sflag:s23] =	ssyncset.done $0x0  }
0xa5: {  	s25 =	simm.s32 $0x1B8E;
	s24 =	sld [smem:$0x3FFE];
	[sflag:s23] =	ssyncadd.s32 $0xFFFFFFFF  }
0xa6: {  	s26 =	simm.s32 $execute0_lowered;
	[smem:$0x3FD2] =	sst s25  }
0xa7: {  	s6 =	sshll.u32 s26, $0x1;
	_ =	strace $0x80000046;
	[dreg:$0x1] =	wrdreg $0xFFFFFFFF  }
0xa8: {  	s28 =	simm.s32 $_size_execute0_lowered;
	s4 =	sadd.s32 s4, s6;
	[dreg:$0x0] =	wrdreg $0x0  }
0xa9: {  	s6 =	sshll.u32 s28, $0x1;
	[dreg:$0x2] =	wrdreg s4  }
0xaa: {  	[dreg:$0x3] =	wrdreg s6  }
0xab: {  	[dreg:$0x4] =	wrdreg $0xC0  }
0xac: {  	_ =	task [dreg:s8], $0x5FFFF  }
0xad: {  	[dreg:$0x1] =	wrdreg $0xFFFFFFFF  }
0xae: {  	[dreg:$0x0] =	wrdreg $0x60  }
0xaf: {  	[dreg:$0x2] =	wrdreg s18  }
0xb0: {  	[dreg:$0x3] =	wrdreg s2  }
0xb1: {  	[dreg:$0x4] =	wrdreg s24  }
0xb2: {  	[dreg:$0x5] =	wrdreg $0x9  }
0xb3: {  	_ =	task.clear_ibuf [dreg:s8], $0x6FFFF;
	_ =	strace $0x90000046  }
0xb4: {  	s29 =	simm.s32 $0x9;
	_ =	strace $0x80000048  }
0xb5: {  	_ =	swait.ge [sflag:s29], $0x1  }
0xb6: {  	[sflag:s29] =	ssyncadd.s32 $0xFFFFFFFF  }
0xb7: {  	_ =	strace $0x90000048  }
0xb8: {  	_ =	sfence  }
0xb9: {  	s30 =	sld [smem:$0x0];
	_ =	sdelay $0x2  }
0xba: {  	s31 =	sshll.u32 s1, $0xD;
	s1 =	sshrl.u32 s1, $0x2  }
0xbb: {  	s3 =	sand.u32 $0x4000, s31;
	s1 =	sadd.s32 s1, s30  }
0xbc: {  	s0 =	sor.u32 s3, s0;
	s1 =	sshll.u32 s1, $0x11  }
0xbd: {  	s0 =	sor.u32 s1, s0  }
0xbe: {  	s0 =	sadd.s32 $0x8F2B, s0  }
0xbf: {  	[sflag:s0] =	ssyncadd.remote.s32 $0x1  }
0xc0: {  	_ =	sfence.sel $0xFFFF  }
0xc1: {  	[dreg:$0x0] =	wrdreg $0xFFFFFFFF;
	(pc) =	sbr.abs _section_cstart, $3  }
0xc2: {  	[dreg:$0x1] =	wrdreg $0xFFFFFFFF  }
0xc3: {  	_ =	task.clear_ibuf [dreg:s8], $0x2FFFF;
	_ =	strace $0x9FFFFFFF  }
0xc4: {  	(tm) =	ssettm $0x7FFFFFFF  }
0xc5: {  	_ =	shalt  }
tec
execute0_lowered:
.L_overlay_start_1:
0x0: {  	(tag) =	ssettag $0x1  }
0x1: {  	s2 =	rddreg [dreg:$0x0]  }
0x2: {  	s4 =	rddreg [dreg:$0x1];
	s3 =	srdreg.scid  }
0x3: {  	s10 =	rddreg [dreg:$0x2];
	s1 =	stileid.u32;
	s11 =	sand.u32 $0x1, s3  }
0x4: {  	s3 =	simm.s32 $0x0;
	s5 =	sshll.u32 s1, $0x6;
	s6 =	sshll.u32 s11, $0x5  }
0x5: {  	[smem:$0x7FF] =	sst s3;
	s7 =	sor.u32 s6, s5  }
0x6: {  	s0 =	rddreg [dreg:$0x3];
	_ =	strace $0x80000047;
	s12 =	sshrl.u32 s7, $0x3  }
0x7: {  	s6 =	simm.s32 $0x80;
	s5 =	sadd.s32 s4, s12;
	s4 =	simm.s32 $0x2  }
0x8: {  	[tilespmem:s6], [sflag:$0x2] =	stream.linear.gather [hbm4b:s5+s3], $0x20, $0x38;
	[tilespmem:$0x200] =	vst v63  }
0x9: {  	_ =	swait.ge [sflag:s4], $0x20  }
0xa: {  	[sflag:s4] =	ssyncset.done $0x0  }
0xb: {  	v0 =	vmov s7;
	s7 =	sor.u32 $0x10, s7;
	[sflag:s4] =	ssyncadd.s32 $0xFFFFFFE0  }
0xc: {  	v0 =	vmul.u32 $0x186A0, v0;
	v1 =	vmov s7;
	v2 =	vld [tilespmem:$0x80]  }
0xd: {  	v3 =	vlaneseq.u32;
	v1 =	vmul.u32 $0x186A0, v1;
	v4 =	vld [tilespmem:$0x90]  }
0xe: {  	v3 =	vmul.u32 $0x186A0, v3;
	v0 =	vbroadcast v0, $0x0  }
0xf: {  	v1 =	vbroadcast v1, $0x0  }
0x10: {  	v0 =	vadd.s32 v3, v0  }
0x11: {  	v1 =	vadd.s32 v3, v1;
	v2 =	vadd.s32 v2, v0  }
0x12: {  	[tilespmem:$0x0] =	vst v2;
	v2 =	vadd.s32 v4, v1  }
0x13: {  	s8 =	simm.s32 $0x100;
	s9 =	simm.s32 $0x1;
	s7 =	simm.s32 $0x20;
	[tilespmem:$0x10] =	vst v2  }
0x14: {  	[tilespmem:s8], [sflag:$0x1] =	stream.indirect.gather [hbm4b:s2+s7], $0x1, s3, s7, $0xb8;
	[tilespmem:$0x200] =	vst v63  }
0x15: {  	_ =	swait.ge [sflag:s9], $0x20  }
0x16: {  	[sflag:s9] =	ssyncset.done $0x0  }
0x17: {  	[sflag:s9] =	ssyncadd.s32 $0xFFFFFFE0  }
0x18: {  	v3 =	vld [tilespmem:$0x100]  }
0x19: {  	v2 =	vld [tilespmem:$0x110];
	_ =	sdelay $0x3  }
0x1a: {  	v33 =	vmul.f32 v3, v3  }
0x1b: {  	v5 =	vmul.f32 v2, v2  }
0x1c: {  	v4 =	vsub.f32 $1.000000000e+00, v33  }
0x1d: {  	v5 =	vsub.f32 $1.000000000e+00, v5  }
0x1e: {  	v4 =	vmax.f32 v4, $0.0e+00  }
0x1f: {  	v5 =	vmax.f32 v5, $0.0e+00;
	v6 =	vmul.f32 $5.000000000e-01, v4  }
0x20: {  	v7 =	vmul.f32 $5.000000000e-01, v5  }
0x21: {  	v6 =	vadd.f32 $5.000000000e-01, v6  }
0x22: {  	v7 =	vadd.f32 $5.000000000e-01, v7  }
0x23: {  	(erf) = vrcp.f32 v6  }
0x24: {  	(erf) = vrcp.f32 v7;
	_ =	sdelay $0x7  }
0x25: {  	v8 =	vpop (erf)  }
0x26: {  	v8 =	vmul.f32 v8, v4;
	v9 =	vpop (erf)  }
0x27: {  	v9 =	vmul.f32 v9, v5  }
0x28: {  	v6 =	vadd.f32 v8, v6  }
0x29: {  	v7 =	vadd.f32 v9, v7  }
0x2a: {  	v6 =	vmul.f32 $5.000000000e-01, v6  }
0x2b: {  	v7 =	vmul.f32 $5.000000000e-01, v7  }
0x2c: {  	(erf) = vrcp.f32 v6  }
0x2d: {  	(erf) = vrcp.f32 v7;
	_ =	sdelay $0x7  }
0x2e: {  	v34 =	vpop (erf)  }
0x2f: {  	v8 =	vmul.f32 v34, v4;
	v35 =	vpop (erf)  }
0x30: {  	v9 =	vmul.f32 v35, v5  }
0x31: {  	v6 =	vadd.f32 v8, v6  }
0x32: {  	v7 =	vadd.f32 v9, v7  }
0x33: {  	v6 =	vmul.f32 $5.000000000e-01, v6  }
0x34: {  	v7 =	vmul.f32 $5.000000000e-01, v7  }
0x35: {  	(erf) = vrcp.f32 v6  }
0x36: {  	(erf) = vrcp.f32 v7;
	_ =	sdelay $0x7  }
0x37: {  	v36 =	vpop (erf)  }
0x38: {  	v8 =	vmul.f32 v36, v4;
	v37 =	vpop (erf)  }
0x39: {  	v9 =	vmul.f32 v37, v5  }
0x3a: {  	v6 =	vadd.f32 v8, v6  }
0x3b: {  	v7 =	vadd.f32 v9, v7  }
0x3c: {  	v6 =	vmul.f32 $5.000000000e-01, v6  }
0x3d: {  	v7 =	vmul.f32 $5.000000000e-01, v7  }
0x3e: {  	(erf) = vrcp.f32 v6  }
0x3f: {  	(erf) = vrcp.f32 v7;
	_ =	sdelay $0x7  }
0x40: {  	v38 =	vpop (erf)  }
0x41: {  	v8 =	vmul.f32 v38, v4;
	v39 =	vpop (erf)  }
0x42: {  	v9 =	vmul.f32 v39, v5  }
0x43: {  	v6 =	vadd.f32 v8, v6  }
0x44: {  	v7 =	vadd.f32 v9, v7  }
0x45: {  	v6 =	vmul.f32 $5.000000000e-01, v6  }
0x46: {  	v7 =	vmul.f32 $5.000000000e-01, v7  }
0x47: {  	(erf) = vrcp.f32 v6  }
0x48: {  	(erf) = vrcp.f32 v7;
	_ =	sdelay $0x7  }
0x49: {  	v40 =	vpop (erf)  }
0x4a: {  	v8 =	vmul.f32 v40, v4;
	v41 =	vpop (erf)  }
0x4b: {  	v9 =	vmul.f32 v41, v5  }
0x4c: {  	v6 =	vadd.f32 v8, v6  }
0x4d: {  	v7 =	vadd.f32 v9, v7  }
0x4e: {  	v6 =	vmul.f32 $5.000000000e-01, v6  }
0x4f: {  	v7 =	vmul.f32 $5.000000000e-01, v7  }
0x50: {  	(erf) = vrcp.f32 v6  }
0x51: {  	(erf) = vrcp.f32 v7;
	_ =	sdelay $0x7  }
0x52: {  	v42 =	vpop (erf)  }
0x53: {  	v8 =	vmul.f32 v42, v4;
	v43 =	vpop (erf)  }
0x54: {  	v9 =	vmul.f32 v43, v5  }
0x55: {  	v6 =	vadd.f32 v8, v6  }
0x56: {  	v7 =	vadd.f32 v9, v7  }
0x57: {  	v6 =	vmul.f32 $5.000000000e-01, v6  }
0x58: {  	v7 =	vmul.f32 $5.000000000e-01, v7  }
0x59: {  	(erf) = vrcp.f32 v6  }
0x5a: {  	(erf) = vrcp.f32 v7;
	_ =	sdelay $0x7  }
0x5b: {  	v44 =	vpop (erf)  }
0x5c: {  	v8 =	vmul.f32 v44, v4;
	v45 =	vpop (erf)  }
0x5d: {  	v9 =	vmul.f32 v45, v5  }
0x5e: {  	v6 =	vadd.f32 v8, v6  }
0x5f: {  	v7 =	vadd.f32 v9, v7  }
0x60: {  	v6 =	vmul.f32 $5.000000000e-01, v6  }
0x61: {  	v7 =	vmul.f32 $5.000000000e-01, v7  }
0x62: {  	(erf) = vrcp.f32 v6  }
0x63: {  	(erf) = vrcp.f32 v7;
	_ =	sdelay $0x7  }
0x64: {  	v46 =	vpop (erf)  }
0x65: {  	v8 =	vmul.f32 v46, v4;
	v47 =	vpop (erf)  }
0x66: {  	v9 =	vmul.f32 v47, v5  }
0x67: {  	v6 =	vadd.f32 v8, v6  }
0x68: {  	v7 =	vadd.f32 v9, v7  }
0x69: {  	v6 =	vmul.f32 $5.000000000e-01, v6  }
0x6a: {  	v7 =	vmul.f32 $5.000000000e-01, v7  }
0x6b: {  	(erf) = vrcp.f32 v6  }
0x6c: {  	(erf) = vrcp.f32 v7;
	_ =	sdelay $0x7  }
0x6d: {  	v48 =	vpop (erf)  }
0x6e: {  	v8 =	vmul.f32 v48, v4;
	v49 =	vpop (erf)  }
0x6f: {  	v9 =	vmul.f32 v49, v5  }
0x70: {  	v6 =	vadd.f32 v8, v6  }
0x71: {  	v7 =	vadd.f32 v9, v7  }
0x72: {  	v6 =	vmul.f32 $5.000000000e-01, v6  }
0x73: {  	v7 =	vmul.f32 $5.000000000e-01, v7  }
0x74: {  	(erf) = vrcp.f32 v6  }
0x75: {  	(erf) = vrcp.f32 v7;
	_ =	sdelay $0x7  }
0x76: {  	v50 =	vpop (erf)  }
0x77: {  	v8 =	vmul.f32 v50, v4;
	v51 =	vpop (erf)  }
0x78: {  	v9 =	vmul.f32 v51, v5  }
0x79: {  	v6 =	vadd.f32 v8, v6  }
0x7a: {  	v7 =	vadd.f32 v9, v7  }
0x7b: {  	v6 =	vmul.f32 $5.000000000e-01, v6  }
0x7c: {  	v7 =	vmul.f32 $5.000000000e-01, v7  }
0x7d: {  	(erf) = vrcp.f32 v6  }
0x7e: {  	(erf) = vrcp.f32 v7;
	_ =	sdelay $0x7  }
0x7f: {  	v52 =	vpop (erf)  }
0x80: {  	v8 =	vmul.f32 v52, v4;
	v53 =	vpop (erf)  }
0x81: {  	v9 =	vmul.f32 v53, v5  }
0x82: {  	v6 =	vadd.f32 v8, v6  }
0x83: {  	v7 =	vadd.f32 v9, v7  }
0x84: {  	v6 =	vmul.f32 $5.000000000e-01, v6  }
0x85: {  	v7 =	vmul.f32 $5.000000000e-01, v7  }
0x86: {  	(erf) = vrcp.f32 v6  }
0x87: {  	(erf) = vrcp.f32 v7;
	_ =	sdelay $0x7  }
0x88: {  	v54 =	vpop (erf)  }
0x89: {  	v8 =	vmul.f32 v54, v4;
	v55 =	vpop (erf)  }
0x8a: {  	v9 =	vmul.f32 v55, v5  }
0x8b: {  	v6 =	vadd.f32 v8, v6  }
0x8c: {  	v7 =	vadd.f32 v9, v7  }
0x8d: {  	v6 =	vmul.f32 $5.000000000e-01, v6  }
0x8e: {  	v7 =	vmul.f32 $5.000000000e-01, v7  }
0x8f: {  	(erf) = vrcp.f32 v6  }
0x90: {  	(erf) = vrcp.f32 v7;
	_ =	sdelay $0x7  }
0x91: {  	v56 =	vpop (erf)  }
0x92: {  	v8 =	vmul.f32 v56, v4;
	v57 =	vpop (erf)  }
0x93: {  	v9 =	vmul.f32 v57, v5  }
0x94: {  	v6 =	vadd.f32 v8, v6  }
0x95: {  	v7 =	vadd.f32 v9, v7  }
0x96: {  	v6 =	vmul.f32 $5.000000000e-01, v6  }
0x97: {  	v7 =	vmul.f32 $5.000000000e-01, v7  }
0x98: {  	(erf) = vrcp.f32 v6  }
0x99: {  	(erf) = vrcp.f32 v7;
	_ =	sdelay $0x7  }
0x9a: {  	v58 =	vpop (erf)  }
0x9b: {  	v8 =	vmul.f32 v58, v4;
	v59 =	vpop (erf)  }
0x9c: {  	v9 =	vmul.f32 v59, v5  }
0x9d: {  	v6 =	vadd.f32 v8, v6  }
0x9e: {  	v7 =	vadd.f32 v9, v7  }
0x9f: {  	v6 =	vmul.f32 $5.000000000e-01, v6  }
0xa0: {  	v7 =	vmul.f32 $5.000000000e-01, v7  }
0xa1: {  	(erf) = vrcp.f32 v6  }
0xa2: {  	(erf) = vrcp.f32 v7;
	_ =	sdelay $0x7  }
0xa3: {  	v60 =	vpop (erf)  }
0xa4: {  	v8 =	vmul.f32 v60, v4;
	v61 =	vpop (erf)  }
0xa5: {  	v9 =	vmul.f32 v61, v5  }
0xa6: {  	v6 =	vadd.f32 v8, v6  }
0xa7: {  	v7 =	vadd.f32 v9, v7  }
0xa8: {  	v6 =	vmul.f32 $5.000000000e-01, v6  }
0xa9: {  	v7 =	vmul.f32 $5.000000000e-01, v7  }
0xaa: {  	(erf) = vrcp.f32 v6  }
0xab: {  	(erf) = vrcp.f32 v7;
	_ =	sdelay $0x7  }
0xac: {  	v62 =	vpop (erf)  }
0xad: {  	v4 =	vmul.f32 v62, v4;
	v63 =	vpop (erf)  }
0xae: {  	v5 =	vmul.f32 v63, v5  }
0xaf: {  	v4 =	vadd.f32 v4, v6  }
0xb0: {  	v5 =	vadd.f32 v5, v7  }
0xb1: {  	v4 =	vmul.f32 $5.000000000e-01, v4  }
0xb2: {  	s11 =	ssub.s32 $0x2, s11;
	v5 =	vmul.f32 $5.000000000e-01, v5  }
0xb3: {  	s13 =	sshrl.u32 s11, $0x1;
	v3 =	vmul.f32 $8.775825500e-01, v3;
	v4 =	vmul.f32 $4.794255500e-01, v4  }
0xb4: {  	s11 =	ssub.s32 s11, s13;
	v2 =	vmul.f32 $8.775825500e-01, v2;
	v5 =	vmul.f32 $4.794255500e-01, v5  }
0xb5: {  	s31 =	smax.u32 s11, $0x1;
	v3 =	vsub.f32 v3, v4  }
0xb6: {  	p0 =	sne.s32 s31, $0x1;
	v2 =	vsub.f32 v2, v5  }
.Ltmp0:
0xb7: {  	v3 =	vmul.f32 $6.400000000e+01, v3;
	(pc) =	sbr.rel @!p0 .LBB2_2-.Ltmp0, $4  }
0xb8: {  	v2 =	vmul.f32 $6.400000000e+01, v2  }
0xb9: {  	s10 =	sadd.s32 s12, s10;
	[tilespmem:$0x180] =	vst v3  }
0xba: {  	s11 =	simm.s32 $0x180;
	s10 =	sadd.s32 $0xC38600, s10;
	s12 =	sadd.s32 $0xFFFFFFFF, s31;
	[tilespmem:$0x190] =	vst v2  }
0xbb: {  	[hbm4b:s10+s3] =	stream.linear.scatter [tilespmem:s11], [sflag:$0x2], $0x20, $0x38;
	[tilespmem:$0x200] =	vst v63  }
.LBB2_1:
0xbc: {  	p0 =	sne.s32 s12, $0x1;
	s12 =	sadd.s32 $0xFFFFFFFF, s12;
	_ =	swait.ge [sflag:s4], $0x20  }
0xbd: {  	[sflag:s4] =	ssyncset.done $0x0  }
0xbe: {  	[sflag:s4] =	ssyncadd.s32 $0xFFFFFFE0  }
0xbf: {  	[tilespmem:s6], [sflag:$0x2] =	stream.linear.gather [hbm4b:s5+s3], $0x20, $0x38;
	[tilespmem:$0x200] =	vst v63  }
0xc0: {  	_ =	swait.ge [sflag:s4], $0x20  }
0xc1: {  	[sflag:s4] =	ssyncset.done $0x0  }
0xc2: {  	[sflag:s4] =	ssyncadd.s32 $0xFFFFFFE0  }
0xc3: {  	v2 =	vld [tilespmem:$0x80]  }
0xc4: {  	v3 =	vld [tilespmem:$0x90];
	_ =	sdelay $0x3  }
0xc5: {  	v2 =	vadd.s32 v2, v0  }
0xc6: {  	[tilespmem:$0x0] =	vst v2;
	v2 =	vadd.s32 v3, v1  }
0xc7: {  	[tilespmem:$0x10] =	vst v2  }
0xc8: {  	[tilespmem:s8], [sflag:$0x1] =	stream.indirect.gather [hbm4b:s2+s7], $0x1, s3, s7, $0xb8;
	[tilespmem:$0x200] =	vst v63  }
0xc9: {  	_ =	swait.ge [sflag:s9], $0x20  }
0xca: {  	[sflag:s9] =	ssyncset.done $0x0  }
0xcb: {  	[sflag:s9] =	ssyncadd.s32 $0xFFFFFFE0  }
0xcc: {  	v3 =	vld [tilespmem:$0x100]  }
0xcd: {  	v2 =	vld [tilespmem:$0x110];
	_ =	sdelay $0x3  }
0xce: {  	v4 =	vmul.f32 v3, v3  }
0xcf: {  	v5 =	vmul.f32 v2, v2  }
0xd0: {  	v4 =	vsub.f32 $1.000000000e+00, v4  }
0xd1: {  	v5 =	vsub.f32 $1.000000000e+00, v5  }
0xd2: {  	v4 =	vmax.f32 v4, $0.0e+00  }
0xd3: {  	v6 =	vmul.f32 $5.000000000e-01, v4;
	v5 =	vmax.f32 v5, $0.0e+00  }
0xd4: {  	v7 =	vmul.f32 $5.000000000e-01, v5  }
0xd5: {  	v6 =	vadd.f32 $5.000000000e-01, v6  }
0xd6: {  	v7 =	vadd.f32 $5.000000000e-01, v7  }
0xd7: {  	(erf) = vrcp.f32 v6  }
0xd8: {  	(erf) = vrcp.f32 v7;
	_ =	sdelay $0x7  }
0xd9: {  	v8 =	vpop (erf)  }
0xda: {  	v8 =	vmul.f32 v8, v4;
	v9 =	vpop (erf)  }
0xdb: {  	v9 =	vmul.f32 v9, v5  }
0xdc: {  	v6 =	vadd.f32 v8, v6  }
0xdd: {  	v7 =	vadd.f32 v9, v7  }
0xde: {  	v6 =	vmul.f32 $5.000000000e-01, v6  }
0xdf: {  	v7 =	vmul.f32 $5.000000000e-01, v7  }
0xe0: {  	(erf) = vrcp.f32 v6  }
0xe1: {  	(erf) = vrcp.f32 v7;
	_ =	sdelay $0x7  }
0xe2: {  	v8 =	vpop (erf)  }
0xe3: {  	v8 =	vmul.f32 v8, v4;
	v9 =	vpop (erf)  }
0xe4: {  	v9 =	vmul.f32 v9, v5  }
0xe5: {  	v6 =	vadd.f32 v8, v6  }
0xe6: {  	v7 =	vadd.f32 v9, v7  }
0xe7: {  	v6 =	vmul.f32 $5.000000000e-01, v6  }
0xe8: {  	v7 =	vmul.f32 $5.000000000e-01, v7  }
0xe9: {  	(erf) = vrcp.f32 v6  }
0xea: {  	(erf) = vrcp.f32 v7;
	_ =	sdelay $0x7  }
0xeb: {  	v8 =	vpop (erf)  }
0xec: {  	v8 =	vmul.f32 v8, v4;
	v9 =	vpop (erf)  }
0xed: {  	v9 =	vmul.f32 v9, v5  }
0xee: {  	v6 =	vadd.f32 v8, v6  }
0xef: {  	v7 =	vadd.f32 v9, v7  }
0xf0: {  	v6 =	vmul.f32 $5.000000000e-01, v6  }
0xf1: {  	v7 =	vmul.f32 $5.000000000e-01, v7  }
0xf2: {  	(erf) = vrcp.f32 v6  }
0xf3: {  	(erf) = vrcp.f32 v7;
	_ =	sdelay $0x7  }
0xf4: {  	v8 =	vpop (erf)  }
0xf5: {  	v8 =	vmul.f32 v8, v4;
	v9 =	vpop (erf)  }
0xf6: {  	v9 =	vmul.f32 v9, v5  }
0xf7: {  	v6 =	vadd.f32 v8, v6  }
0xf8: {  	v7 =	vadd.f32 v9, v7  }
0xf9: {  	v6 =	vmul.f32 $5.000000000e-01, v6  }
0xfa: {  	v7 =	vmul.f32 $5.000000000e-01, v7  }
0xfb: {  	(erf) = vrcp.f32 v6  }
0xfc: {  	(erf) = vrcp.f32 v7;
	_ =	sdelay $0x7  }
0xfd: {  	v8 =	vpop (erf)  }
0xfe: {  	v8 =	vmul.f32 v8, v4;
	v9 =	vpop (erf)  }
0xff: {  	v9 =	vmul.f32 v9, v5  }
0x100: {  	v6 =	vadd.f32 v8, v6  }
0x101: {  	v7 =	vadd.f32 v9, v7  }
0x102: {  	v6 =	vmul.f32 $5.000000000e-01, v6  }
0x103: {  	v7 =	vmul.f32 $5.000000000e-01, v7  }
0x104: {  	(erf) = vrcp.f32 v6  }
0x105: {  	(erf) = vrcp.f32 v7;
	_ =	sdelay $0x7  }
0x106: {  	v8 =	vpop (erf)  }
0x107: {  	v8 =	vmul.f32 v8, v4;
	v9 =	vpop (erf)  }
0x108: {  	v9 =	vmul.f32 v9, v5  }
0x109: {  	v6 =	vadd.f32 v8, v6  }
0x10a: {  	v7 =	vadd.f32 v9, v7  }
0x10b: {  	v6 =	vmul.f32 $5.000000000e-01, v6  }
0x10c: {  	v7 =	vmul.f32 $5.000000000e-01, v7  }
0x10d: {  	(erf) = vrcp.f32 v6  }
0x10e: {  	(erf) = vrcp.f32 v7;
	_ =	sdelay $0x7  }
0x10f: {  	v8 =	vpop (erf)  }
0x110: {  	v8 =	vmul.f32 v8, v4;
	v9 =	vpop (erf)  }
0x111: {  	v9 =	vmul.f32 v9, v5  }
0x112: {  	v6 =	vadd.f32 v8, v6  }
0x113: {  	v7 =	vadd.f32 v9, v7  }
0x114: {  	v6 =	vmul.f32 $5.000000000e-01, v6  }
0x115: {  	v7 =	vmul.f32 $5.000000000e-01, v7  }
0x116: {  	(erf) = vrcp.f32 v6  }
0x117: {  	(erf) = vrcp.f32 v7;
	_ =	sdelay $0x7  }
0x118: {  	v8 =	vpop (erf)  }
0x119: {  	v8 =	vmul.f32 v8, v4;
	v9 =	vpop (erf)  }
0x11a: {  	v9 =	vmul.f32 v9, v5  }
0x11b: {  	v6 =	vadd.f32 v8, v6  }
0x11c: {  	v7 =	vadd.f32 v9, v7  }
0x11d: {  	v6 =	vmul.f32 $5.000000000e-01, v6  }
0x11e: {  	v7 =	vmul.f32 $5.000000000e-01, v7  }
0x11f: {  	(erf) = vrcp.f32 v6  }
0x120: {  	(erf) = vrcp.f32 v7;
	_ =	sdelay $0x7  }
0x121: {  	v8 =	vpop (erf)  }
0x122: {  	v8 =	vmul.f32 v8, v4;
	v9 =	vpop (erf)  }
0x123: {  	v9 =	vmul.f32 v9, v5  }
0x124: {  	v6 =	vadd.f32 v8, v6  }
0x125: {  	v7 =	vadd.f32 v9, v7  }
0x126: {  	v6 =	vmul.f32 $5.000000000e-01, v6  }
0x127: {  	v7 =	vmul.f32 $5.000000000e-01, v7  }
0x128: {  	(erf) = vrcp.f32 v6  }
0x129: {  	(erf) = vrcp.f32 v7;
	_ =	sdelay $0x7  }
0x12a: {  	v8 =	vpop (erf)  }
0x12b: {  	v8 =	vmul.f32 v8, v4;
	v9 =	vpop (erf)  }
0x12c: {  	v9 =	vmul.f32 v9, v5  }
0x12d: {  	v6 =	vadd.f32 v8, v6  }
0x12e: {  	v7 =	vadd.f32 v9, v7  }
0x12f: {  	v6 =	vmul.f32 $5.000000000e-01, v6  }
0x130: {  	v7 =	vmul.f32 $5.000000000e-01, v7  }
0x131: {  	(erf) = vrcp.f32 v6  }
0x132: {  	(erf) = vrcp.f32 v7;
	_ =	sdelay $0x7  }
0x133: {  	v8 =	vpop (erf)  }
0x134: {  	v8 =	vmul.f32 v8, v4;
	v9 =	vpop (erf)  }
0x135: {  	v9 =	vmul.f32 v9, v5  }
0x136: {  	v6 =	vadd.f32 v8, v6  }
0x137: {  	v7 =	vadd.f32 v9, v7  }
0x138: {  	v6 =	vmul.f32 $5.000000000e-01, v6  }
0x139: {  	v7 =	vmul.f32 $5.000000000e-01, v7  }
0x13a: {  	(erf) = vrcp.f32 v6  }
0x13b: {  	(erf) = vrcp.f32 v7;
	_ =	sdelay $0x7  }
0x13c: {  	v8 =	vpop (erf)  }
0x13d: {  	v8 =	vmul.f32 v8, v4;
	v9 =	vpop (erf)  }
0x13e: {  	v9 =	vmul.f32 v9, v5  }
0x13f: {  	v6 =	vadd.f32 v8, v6  }
0x140: {  	v7 =	vadd.f32 v9, v7  }
0x141: {  	v6 =	vmul.f32 $5.000000000e-01, v6  }
0x142: {  	v7 =	vmul.f32 $5.000000000e-01, v7  }
0x143: {  	(erf) = vrcp.f32 v6  }
0x144: {  	(erf) = vrcp.f32 v7;
	_ =	sdelay $0x7  }
0x145: {  	v8 =	vpop (erf)  }
0x146: {  	v8 =	vmul.f32 v8, v4;
	v9 =	vpop (erf)  }
0x147: {  	v9 =	vmul.f32 v9, v5  }
0x148: {  	v6 =	vadd.f32 v8, v6  }
0x149: {  	v7 =	vadd.f32 v9, v7  }
0x14a: {  	v6 =	vmul.f32 $5.000000000e-01, v6  }
0x14b: {  	v7 =	vmul.f32 $5.000000000e-01, v7  }
0x14c: {  	(erf) = vrcp.f32 v6  }
0x14d: {  	(erf) = vrcp.f32 v7;
	_ =	sdelay $0x7  }
0x14e: {  	v8 =	vpop (erf)  }
0x14f: {  	v8 =	vmul.f32 v8, v4;
	v9 =	vpop (erf)  }
0x150: {  	v9 =	vmul.f32 v9, v5  }
0x151: {  	v6 =	vadd.f32 v8, v6  }
0x152: {  	v7 =	vadd.f32 v9, v7  }
0x153: {  	v6 =	vmul.f32 $5.000000000e-01, v6  }
0x154: {  	v7 =	vmul.f32 $5.000000000e-01, v7  }
0x155: {  	(erf) = vrcp.f32 v6  }
0x156: {  	(erf) = vrcp.f32 v7;
	_ =	sdelay $0x7  }
0x157: {  	v8 =	vpop (erf)  }
0x158: {  	v8 =	vmul.f32 v8, v4;
	v9 =	vpop (erf)  }
0x159: {  	v9 =	vmul.f32 v9, v5  }
0x15a: {  	v6 =	vadd.f32 v8, v6  }
0x15b: {  	v7 =	vadd.f32 v9, v7  }
0x15c: {  	v6 =	vmul.f32 $5.000000000e-01, v6  }
0x15d: {  	v7 =	vmul.f32 $5.000000000e-01, v7  }
0x15e: {  	(erf) = vrcp.f32 v6  }
0x15f: {  	(erf) = vrcp.f32 v7;
	_ =	sdelay $0x7  }
0x160: {  	v8 =	vpop (erf)  }
0x161: {  	v4 =	vmul.f32 v8, v4;
	v8 =	vpop (erf)  }
0x162: {  	v5 =	vmul.f32 v8, v5  }
0x163: {  	v4 =	vadd.f32 v4, v6  }
0x164: {  	v5 =	vadd.f32 v5, v7  }
0x165: {  	v3 =	vmul.f32 $8.775825500e-01, v3;
	v4 =	vmul.f32 $5.000000000e-01, v4  }
0x166: {  	v2 =	vmul.f32 $8.775825500e-01, v2;
	v5 =	vmul.f32 $5.000000000e-01, v5  }
0x167: {  	v4 =	vmul.f32 $4.794255500e-01, v4  }
0x168: {  	v5 =	vmul.f32 $4.794255500e-01, v5  }
0x169: {  	v3 =	vsub.f32 v3, v4  }
0x16a: {  	v2 =	vsub.f32 v2, v5  }
.Ltmp1:
0x16b: {  	v3 =	vmul.f32 $6.400000000e+01, v3;
	(pc) =	sbr.rel @p0 .LBB2_1-.Ltmp1, $4  }
0x16c: {  	v2 =	vmul.f32 $6.400000000e+01, v2  }
0x16d: {  	[tilespmem:$0x180] =	vst v3  }
0x16e: {  	[tilespmem:$0x190] =	vst v2  }
0x16f: {  	[hbm4b:s10+s3] =	stream.linear.scatter [tilespmem:s11], [sflag:$0x2], $0x20, $0x38;
	[tilespmem:$0x200] =	vst v63  }
.LBB2_2:
0x170: {  	_ =	swait.ge [sflag:s4], $0x20  }
0x171: {  	[sflag:s4] =	ssyncset.done $0x0  }
0x172: {  	[sflag:s4] =	ssyncadd.s32 $0xFFFFFFE0  }
0x173: {  	_ =	sfence.sel $0x180000  }
0x174: {  	[bflag:$0x0] =	sbarrier.arrive $0xFFFF  }
0x175: {  	p0 =	sne.s32 s1, $0x0;
	_ =	strace $0x90000047  }
0x176: {  	s0 =	sadd.s32 @!p0 $0x100000, s0;
	[bflag:$0x2] =	sbarrier.arrive $0xFFFF  }
0x177: {  	[sflag:s0] =	ssyncadd.tile.s32 @!p0 $0x1;
	_ =	shalt  }
.Lfunc_end2:
_tile_overlayer_lowered:
.L_overlay_start_2:
0x178: {  	(tag) =	ssettag $0x2  }
0x179: {  	s0 =	rddreg [dreg:$0x0];
	s2 =	stileid.u32  }
0x17a: {  	s1 =	rddreg [dreg:$0x1];
	p0 =	sne.s32 s2, $0x0  }
0x17b: {  	s3 =	rddreg [dreg:$0x2];
	[bflag:$0x3] =	sbarrier.arrive $0xFFFF;
	s2 =	simm.s32 @!p0 $0x1C02  }
0x17c: {  	[timem:s3], [sflag:s2] =	dma.local @!p0 [hbm:s0], s1  }
0x17d: {  	s0 =	simm.s32 @!p0 $0x2  }
0x17e: {  	_ =	swait.ge @!p0 [sflag:s0], s1  }
0x17f: {  	s1 =	ssub.s32 @!p0 $0x0, s1;
	[sflag:s0] =	ssyncset.done @!p0 $0x0  }
0x180: {  	[sflag:s0] =	ssyncadd.s32 @!p0 s1  }
0x181: {  	[bflag:$0x3] =	sbarrier.arrive $0xFFFF  }
0x182: {  	_ =	shalt  }

</sc_bundles>
